<compile_context>
chip_gen: v7x
topology: tpu7x:2x2x1
jax: 0.10.2.dev20260603
libtpu: 0.0.44.dev20260713+nightly
codegen_flags: <defaults>
</compile_context>

<pallas_src>
import functools

import jax
import jax.numpy as jnp
from jax.experimental import pallas as pl
from jax.experimental.pallas import tpu as pltpu

T = 2048
D = 1024
E = 64
I = 512
B = 128
G = 80
R = G * B
TPAD = 2304


def _router_shared_body(h_ref, gwp_ref, swgu_ref, swd_ref, init_ref, eid_ref):
    h = h_ref[...]
    logits = jnp.dot(h, gwp_ref[...])
    rl = logits[:, :E]
    mx = jnp.max(rl, axis=1, keepdims=True)
    col = jax.lax.broadcasted_iota(jnp.int32, rl.shape, 1)
    cand = jnp.where(rl == mx, col, E)
    eid = jnp.min(cand, axis=1)
    sg = jax.nn.sigmoid(logits[:, E])

    gu = jnp.dot(h, swgu_ref[...])
    g = gu[:, :I]
    u = gu[:, I:]
    hh = g * jax.nn.sigmoid(g) * u
    sh = jnp.dot(hh, swd_ref[...])
    init_ref[...] = sg[:, None] * sh
    eid_ref[...] = eid.reshape(1, 1, 256)


def _router_shared(h, gate_w_pad, sw_gate_up, sw_down):
    return pl.pallas_call(
        _router_shared_body,
        grid=(T // 256,),
        in_specs=[
            pl.BlockSpec((256, D), lambda g: (g, 0)),
            pl.BlockSpec((D, 128), lambda g: (0, 0)),
            pl.BlockSpec((D, 2 * I), lambda g: (0, 0)),
            pl.BlockSpec((I, D), lambda g: (0, 0)),
        ],
        out_specs=[
            pl.BlockSpec((256, D), lambda g: (g, 0)),
            pl.BlockSpec((1, 1, 256), lambda g: (g, 0, 0)),
        ],
        out_shape=[
            jax.ShapeDtypeStruct((T, D), jnp.float32),
            jax.ShapeDtypeStruct((T // 256, 1, 256), jnp.int32),
        ],
    )(h, gate_w_pad, sw_gate_up, sw_down)


def _expert_body(be_ref, x_ref, wgu_ref, wd_ref, o_ref):
    x = x_ref[...]
    gu = jnp.dot(x, wgu_ref[0])
    g = gu[:, :I]
    u = gu[:, I:]
    hh = g * jax.nn.sigmoid(g) * u
    o_ref[...] = jnp.dot(hh, wd_ref[0])


def _expert_matmul(block_expert, x_sorted, w_gate_up, w_down):
    grid_spec = pltpu.PrefetchScalarGridSpec(
        num_scalar_prefetch=1,
        grid=(G,),
        in_specs=[
            pl.BlockSpec((B, D), lambda g, be: (g, 0)),
            pl.BlockSpec((1, D, 2 * I), lambda g, be: (be[g], 0, 0)),
            pl.BlockSpec((1, I, D), lambda g, be: (be[g], 0, 0)),
        ],
        out_specs=pl.BlockSpec((B, D), lambda g, be: (g, 0)),
    )
    return pl.pallas_call(
        _expert_body,
        grid_spec=grid_spec,
        out_shape=jax.ShapeDtypeStruct((R, D), jnp.float32),
    )(block_expert, x_sorted, w_gate_up, w_down)


def _add_body(a_ref, b_ref, o_ref):
    o_ref[...] = a_ref[...] + b_ref[...]


def _combine(init, scattered):
    return pl.pallas_call(
        _add_body,
        grid=(T // 256,),
        in_specs=[
            pl.BlockSpec((256, D), lambda g: (g, 0)),
            pl.BlockSpec((256, D), lambda g: (g, 0)),
        ],
        out_specs=pl.BlockSpec((256, D), lambda g: (g, 0)),
        out_shape=jax.ShapeDtypeStruct((T, D), jnp.float32),
    )(init, scattered)


def _dispatch_indices(eids_flat):
    counts = jnp.zeros((E,), jnp.int32).at[eids_flat].add(1)
    nb = (counts + B - 1) // B
    bs = jnp.cumsum(nb) - nb
    tok_cum = jnp.cumsum(counts) - counts
    order = jnp.argsort(eids_flat, stable=True)
    e_sorted = eids_flat[order]
    j = jnp.arange(T, dtype=jnp.int32)
    pos = bs[e_sorted] * B + (j - tok_cum[e_sorted])
    src_idx = jnp.zeros((R,), jnp.int32).at[pos].set(order.astype(jnp.int32))
    real = jnp.zeros((R,), jnp.bool_).at[pos].set(True)
    dst_idx = jnp.where(real, src_idx,
                        T + (jnp.arange(R, dtype=jnp.int32) % 64))
    return src_idx, dst_idx


def kernel(hidden_states, gate_w, w_gate_up, w_down, sw_gate_up, sw_down):
    gate_w_pad = jnp.pad(gate_w, ((0, 0), (0, 128 - (E + 1))))
    init, eids = _router_shared(hidden_states, gate_w_pad, sw_gate_up, sw_down)
    eids_flat = eids.reshape(T)

    src_idx, dst_idx = _dispatch_indices(eids_flat)
    x_sorted = hidden_states[src_idx]
    block_expert = eids_flat[src_idx[::B]]

    routed = _expert_matmul(block_expert, x_sorted, w_gate_up, w_down)

    scattered = jnp.zeros((TPAD, D), jnp.float32).at[dst_idx].set(routed)
    return _combine(init, scattered[:T])

# --- scband reference (transcript-rebuilt; emitter-appended) ---
"""Pipeline reference for scband-qwen3-next-sparse-moe-block-46145128628424 (READ-ONLY COPY).

The authoritative reference and input builder live on the scoring server;
editing this copy changes nothing except your own understanding.
"""

import jax, jax.numpy as jnp
import numpy as np

T = 2048
D = 1024
E = 64
TOPK = 1
I = 512
IS = 512
NSH = 1


def setup_inputs(seed: int = 0) -> dict:
    key = jax.random.key(seed)
    ks = jax.random.split(key, 6)
    hidden_states = jax.random.normal(ks[0], (T, D), dtype=jnp.float32)
    gate_w = jax.random.normal(ks[1], (D, E + NSH), dtype=jnp.float32) * 0.02
    w_gate_up = jax.random.normal(ks[2], (E, D, 2 * I), dtype=jnp.float32) * 0.02
    w_down = jax.random.normal(ks[3], (E, I, D), dtype=jnp.float32) * 0.02
    sw_gate_up = jax.random.normal(ks[4], (D, 2 * IS), dtype=jnp.float32) * 0.02
    sw_down = jax.random.normal(ks[5], (IS, D), dtype=jnp.float32) * 0.02
    return {
        "hidden_states": hidden_states,
        "gate_w": gate_w,
        "w_gate_up": w_gate_up,
        "w_down": w_down,
        "sw_gate_up": sw_gate_up,
        "sw_down": sw_down,
    }


def _moe_block(hidden_states, gate_w, w_gate_up, w_down, sw_gate_up, sw_down):
    # gate: MergedReplicatedLinear producing [num_experts + n_shared_experts] logits
    logits = hidden_states @ gate_w  # [T, E + NSH]
    router_logits = logits[:, :E]

    # FusedMoE routing: softmax over experts, top-k, renormalize
    probs = jax.nn.softmax(router_logits.astype(jnp.float32), axis=-1)
    topk_w, topk_idx = jax.lax.top_k(probs, TOPK)
    topk_w = topk_w / jnp.sum(topk_w, axis=-1, keepdims=True)
    combine = jnp.sum(
        jax.nn.one_hot(topk_idx, E, dtype=hidden_states.dtype) * topk_w[..., None],
        axis=1,
    )  # [T, E] dense combine weights

    # Routed experts: SiLU-and-mul MLP per expert, combined with routing weights
    def body(acc, xs):
        wgu, wd, cw = xs  # wgu: [D, 2I], wd: [I, D], cw: [T]
        gu = hidden_states @ wgu
        g, u = jnp.split(gu, 2, axis=-1)
        h = jax.nn.silu(g) * u
        o = h @ wd
        return acc + cw[:, None] * o, None

    routed, _ = jax.lax.scan(
        body,
        jnp.zeros((hidden_states.shape[0], D), dtype=hidden_states.dtype),
        (w_gate_up, w_down, combine.T),
    )

    # Shared expert (Qwen3NextMLP) gated by sigmoid of shared gate logits
    gu = hidden_states @ sw_gate_up
    g, u = jnp.split(gu, 2, axis=-1)
    shared = (jax.nn.silu(g) * u) @ sw_down
    shared_gate = jax.nn.sigmoid(logits[:, E:])  # [T, NSH=1]
    return shared_gate * shared + routed


def reference(hidden_states, gate_w, w_gate_up, w_down, sw_gate_up, sw_down):
    return _moe_block(hidden_states, gate_w, w_gate_up, w_down, sw_gate_up, sw_down)

if __name__ == "__main__":
    import jax
    _d = setup_inputs()
    print(jax.jit(kernel)(*tuple(_d.values())))

</pallas_src>

<mosaic_0001>
module attributes {stable_mosaic.version = 14 : i64} {
  func.func @_router_shared_body(%arg0: i32, %arg1: memref<256x1024xf32, #tpu.memory_space<vmem>>, %arg2: memref<1024x128xf32, #tpu.memory_space<vmem>>, %arg3: memref<1024x1024xf32, #tpu.memory_space<vmem>>, %arg4: memref<512x1024xf32, #tpu.memory_space<vmem>>, %arg5: memref<256x1024xf32, #tpu.memory_space<vmem>>, %arg6: memref<1x1x256xi32, #tpu.memory_space<vmem>>) attributes {dimension_semantics = [#tpu.dimension_semantics<arbitrary>], iteration_bounds = array<i64: 8>, scalar_prefetch = 0 : i64, scratch_operands = 0 : i64, tpu.core_type = #tpu.core_type<tc>, window_params = [{transform_indices = @transform_0, window_bounds = array<i64: 256, 1024>}, {pipeline_mode = #tpu.pipeline_mode<synchronous>, transform_indices = @transform_1, window_bounds = array<i64: 1024, 128>}, {pipeline_mode = #tpu.pipeline_mode<synchronous>, transform_indices = @transform_2, window_bounds = array<i64: 1024, 1024>}, {pipeline_mode = #tpu.pipeline_mode<synchronous>, transform_indices = @transform_3, window_bounds = array<i64: 512, 1024>}, {transform_indices = @transform_4, window_bounds = array<i64: 256, 1024>}, {transform_indices = @transform_5, window_bounds = array<i64: 1, 1, 256>}]} {
    %get3A = arith.constant 0 : index
    %get3A_0 = arith.constant 0 : index
    %get3A_1 = vector.load %arg1[%get3A, %get3A_0] : memref<256x1024xf32, #tpu.memory_space<vmem>>, vector<256x1024xf32>
    %get3A_2 = arith.constant 0 : index
    %get3A_3 = arith.constant 0 : index
    %get3A_4 = vector.load %arg2[%get3A_2, %get3A_3] : memref<1024x128xf32, #tpu.memory_space<vmem>>, vector<1024x128xf32>
    %dot_general3A = arith.constant dense<0.000000e+00> : vector<256x128xf32>
    %dot_general3A_5 = tpu.matmul %get3A_1, %get3A_4, %dot_general3A {dimension_numbers = #tpu.dot_dimension_numbers<[1], [0], [0], [1], [0, 0, 1, 1], [], []>, transpose_lhs_hint = false} : vector<256x1024xf32>, vector<1024x128xf32>, vector<256x128xf32> -> vector<256x128xf32>
    %slice3A = vector.extract_strided_slice %dot_general3A_5 {offsets = [0, 0], sizes = [256, 64], strides = [1, 1]} : vector<256x128xf32> to vector<256x64xf32>
    %reduce_max3A = arith.constant dense<0xFF800000> : vector<256xf32>
    %reduce_max3A_6 = vector.multi_reduction <maximumf>, %slice3A, %reduce_max3A [1] : vector<256x64xf32> to vector<256xf32>
    %broadcast_in_dim3A = vector.shape_cast %reduce_max3A_6 : vector<256xf32> to vector<256x1xf32>
    %iota3A = tpu.iota {dimensions = array<i32: 1>} : vector<256x64xi32>
    %eq3A = vector.broadcast %broadcast_in_dim3A : vector<256x1xf32> to vector<256x64xf32>
    %eq3A_7 = arith.cmpf oeq, %slice3A, %eq3A : vector<256x64xf32>
    %jit3A = arith.constant 64 : i32
    %broadcast_in_dim3A_8 = vector.broadcast %jit3A : i32 to vector<256x64xi32>
    %select_n3A = arith.select %eq3A_7, %iota3A, %broadcast_in_dim3A_8 : vector<256x64xi1>, vector<256x64xi32>
    %reduce_min3A = arith.constant dense<2147483647> : vector<256xi32>
    %reduce_min3A_9 = vector.multi_reduction <minsi>, %select_n3A, %reduce_min3A [1] : vector<256x64xi32> to vector<256xi32>
    %slice3A_10 = vector.extract_strided_slice %dot_general3A_5 {offsets = [0, 64], sizes = [256, 1], strides = [1, 1]} : vector<256x128xf32> to vector<256x1xf32>
    %squeeze3A = vector.shape_cast %slice3A_10 : vector<256x1xf32> to vector<256xf32>
    %logistic3A = arith.negf %squeeze3A : vector<256xf32>
    %logistic3A_11 = math.exp %logistic3A : vector<256xf32>
    %logistic3A_12 = arith.constant 1.000000e+00 : f32
    %logistic3A_13 = vector.broadcast %logistic3A_12 : f32 to vector<256xf32>
    %logistic3A_14 = arith.addf %logistic3A_13, %logistic3A_11 : vector<256xf32>
    %logistic3A_15 = arith.divf %logistic3A_13, %logistic3A_14 : vector<256xf32>
    %get3A_16 = arith.constant 0 : index
    %get3A_17 = arith.constant 0 : index
    %get3A_18 = vector.load %arg3[%get3A_16, %get3A_17] : memref<1024x1024xf32, #tpu.memory_space<vmem>>, vector<1024x1024xf32>
    %dot_general3A_19 = arith.constant dense<0.000000e+00> : vector<256x1024xf32>
    %dot_general3A_20 = tpu.matmul %get3A_1, %get3A_18, %dot_general3A_19 {dimension_numbers = #tpu.dot_dimension_numbers<[1], [0], [0], [1], [0, 0, 1, 1], [], []>, transpose_lhs_hint = false} : vector<256x1024xf32>, vector<1024x1024xf32>, vector<256x1024xf32> -> vector<256x1024xf32>
    %slice3A_21 = vector.extract_strided_slice %dot_general3A_20 {offsets = [0, 0], sizes = [256, 512], strides = [1, 1]} : vector<256x1024xf32> to vector<256x512xf32>
    %slice3A_22 = vector.extract_strided_slice %dot_general3A_20 {offsets = [0, 512], sizes = [256, 512], strides = [1, 1]} : vector<256x1024xf32> to vector<256x512xf32>
    %logistic3A_23 = arith.negf %slice3A_21 : vector<256x512xf32>
    %logistic3A_24 = math.exp %logistic3A_23 : vector<256x512xf32>
    %logistic3A_25 = arith.constant 1.000000e+00 : f32
    %logistic3A_26 = vector.broadcast %logistic3A_25 : f32 to vector<256x512xf32>
    %logistic3A_27 = arith.addf %logistic3A_26, %logistic3A_24 : vector<256x512xf32>
    %logistic3A_28 = arith.divf %logistic3A_26, %logistic3A_27 : vector<256x512xf32>
    %mul3A = arith.mulf %slice3A_21, %logistic3A_28 : vector<256x512xf32>
    %mul3A_29 = arith.mulf %mul3A, %slice3A_22 : vector<256x512xf32>
    %get3A_30 = arith.constant 0 : index
    %get3A_31 = arith.constant 0 : index
    %get3A_32 = vector.load %arg4[%get3A_30, %get3A_31] : memref<512x1024xf32, #tpu.memory_space<vmem>>, vector<512x1024xf32>
    %dot_general3A_33 = arith.constant dense<0.000000e+00> : vector<256x1024xf32>
    %dot_general3A_34 = tpu.matmul %mul3A_29, %get3A_32, %dot_general3A_33 {dimension_numbers = #tpu.dot_dimension_numbers<[1], [0], [0], [1], [0, 0, 1, 1], [], []>, transpose_lhs_hint = false} : vector<256x512xf32>, vector<512x1024xf32>, vector<256x1024xf32> -> vector<256x1024xf32>
    %broadcast_in_dim3A_35 = vector.shape_cast %logistic3A_15 : vector<256xf32> to vector<256x1xf32>
    %mul3A_36 = vector.broadcast %broadcast_in_dim3A_35 : vector<256x1xf32> to vector<256x1024xf32>
    %mul3A_37 = arith.mulf %mul3A_36, %dot_general3A_34 : vector<256x1024xf32>
    %swap3A = arith.constant 0 : index
    %swap3A_38 = arith.constant 0 : index
    %swap3A_39 = vector.load %arg5[%swap3A, %swap3A_38] : memref<256x1024xf32, #tpu.memory_space<vmem>>, vector<256x1024xf32>
    tpu.vector_store %arg5[%swap3A, %swap3A_38], %mul3A_37 {strides = array<i32>} : memref<256x1024xf32, #tpu.memory_space<vmem>>, vector<256x1024xf32>,
    %reshape3A = vector.shape_cast %reduce_min3A_9 : vector<256xi32> to vector<1x1x256xi32>
    %swap3A_40 = arith.constant 0 : index
    %swap3A_41 = arith.constant 0 : index
    %swap3A_42 = arith.constant 0 : index
    %swap3A_43 = vector.load %arg6[%swap3A_40, %swap3A_41, %swap3A_42] : memref<1x1x256xi32, #tpu.memory_space<vmem>>, vector<1x1x256xi32>
    tpu.vector_store %arg6[%swap3A_40, %swap3A_41, %swap3A_42], %reshape3A {strides = array<i32>} : memref<1x1x256xi32, #tpu.memory_space<vmem>>, vector<1x1x256xi32>,
    return
  }
  func.func @transform_0(%arg0: i32) -> (i32, i32) {
    %c0_i32 = arith.constant 0 : i32
    %c0_i32_0 = arith.constant 0 : i32
    return %arg0, %c0_i32 : i32, i32
  }
  func.func @transform_1(%arg0: i32) -> (i32, i32) {
    %c0_i32 = arith.constant 0 : i32
    %c0_i32_0 = arith.constant 0 : i32
    %c0_i32_1 = arith.constant 0 : i32
    return %c0_i32, %c0_i32_0 : i32, i32
  }
  func.func @transform_2(%arg0: i32) -> (i32, i32) {
    %c0_i32 = arith.constant 0 : i32
    %c0_i32_0 = arith.constant 0 : i32
    %c0_i32_1 = arith.constant 0 : i32
    return %c0_i32, %c0_i32_0 : i32, i32
  }
  func.func @transform_3(%arg0: i32) -> (i32, i32) {
    %c0_i32 = arith.constant 0 : i32
    %c0_i32_0 = arith.constant 0 : i32
    %c0_i32_1 = arith.constant 0 : i32
    return %c0_i32, %c0_i32_0 : i32, i32
  }
  func.func @transform_4(%arg0: i32) -> (i32, i32) {
    %c0_i32 = arith.constant 0 : i32
    %c0_i32_0 = arith.constant 0 : i32
    return %arg0, %c0_i32 : i32, i32
  }
  func.func @transform_5(%arg0: i32) -> (i32, i32, i32) {
    %c0_i32 = arith.constant 0 : i32
    %c0_i32_0 = arith.constant 0 : i32
    %c0_i32_1 = arith.constant 0 : i32
    return %arg0, %c0_i32, %c0_i32_0 : i32, i32, i32
  }
}

module attributes {stable_mosaic.version = 14 : i64} {
  func.func @_expert_body(%arg0: i32, %arg1: memref<80xi32, #tpu.memory_space<smem>>, %arg2: memref<128x1024xf32, #tpu.memory_space<vmem>>, %arg3: memref<1x1024x1024xf32, #tpu.memory_space<vmem>>, %arg4: memref<1x512x1024xf32, #tpu.memory_space<vmem>>, %arg5: memref<128x1024xf32, #tpu.memory_space<vmem>>) attributes {dimension_semantics = [#tpu.dimension_semantics<arbitrary>], iteration_bounds = array<i64: 80>, scalar_prefetch = 1 : i64, scratch_operands = 0 : i64, tpu.core_type = #tpu.core_type<tc>, window_params = [{transform_indices = @transform_0, window_bounds = array<i64: 128, 1024>}, {transform_indices = @transform_1, window_bounds = array<i64: 1, 1024, 1024>}, {transform_indices = @transform_2, window_bounds = array<i64: 1, 512, 1024>}, {transform_indices = @transform_3, window_bounds = array<i64: 128, 1024>}]} {
    %get3A = arith.constant 0 : index
    %get3A_0 = arith.constant 0 : index
    %get3A_1 = vector.load %arg2[%get3A, %get3A_0] : memref<128x1024xf32, #tpu.memory_space<vmem>>, vector<128x1024xf32>
    %get3A_2 = arith.constant 0 : index
    %get3A_3 = arith.constant 0 : index
    %get3A_4 = arith.constant 0 : index
    %get3A_5 = vector.load %arg3[%get3A_2, %get3A_3, %get3A_4] : memref<1x1024x1024xf32, #tpu.memory_space<vmem>>, vector<1x1024x1024xf32>
    %get3A_6 = vector.shape_cast %get3A_5 : vector<1x1024x1024xf32> to vector<1024x1024xf32>
    %dot_general3A = arith.constant dense<0.000000e+00> : vector<128x1024xf32>
    %dot_general3A_7 = tpu.matmul %get3A_1, %get3A_6, %dot_general3A {dimension_numbers = #tpu.dot_dimension_numbers<[1], [0], [0], [1], [0, 0, 1, 1], [], []>, transpose_lhs_hint = false} : vector<128x1024xf32>, vector<1024x1024xf32>, vector<128x1024xf32> -> vector<128x1024xf32>
    %slice3A = vector.extract_strided_slice %dot_general3A_7 {offsets = [0, 0], sizes = [128, 512], strides = [1, 1]} : vector<128x1024xf32> to vector<128x512xf32>
    %slice3A_8 = vector.extract_strided_slice %dot_general3A_7 {offsets = [0, 512], sizes = [128, 512], strides = [1, 1]} : vector<128x1024xf32> to vector<128x512xf32>
    %logistic3A = arith.negf %slice3A : vector<128x512xf32>
    %logistic3A_9 = math.exp %logistic3A : vector<128x512xf32>
    %logistic3A_10 = arith.constant 1.000000e+00 : f32
    %logistic3A_11 = vector.broadcast %logistic3A_10 : f32 to vector<128x512xf32>
    %logistic3A_12 = arith.addf %logistic3A_11, %logistic3A_9 : vector<128x512xf32>
    %logistic3A_13 = arith.divf %logistic3A_11, %logistic3A_12 : vector<128x512xf32>
    %mul3A = arith.mulf %slice3A, %logistic3A_13 : vector<128x512xf32>
    %mul3A_14 = arith.mulf %mul3A, %slice3A_8 : vector<128x512xf32>
    %get3A_15 = arith.constant 0 : index
    %get3A_16 = arith.constant 0 : index
    %get3A_17 = arith.constant 0 : index
    %get3A_18 = vector.load %arg4[%get3A_15, %get3A_16, %get3A_17] : memref<1x512x1024xf32, #tpu.memory_space<vmem>>, vector<1x512x1024xf32>
    %get3A_19 = vector.shape_cast %get3A_18 : vector<1x512x1024xf32> to vector<512x1024xf32>
    %dot_general3A_20 = arith.constant dense<0.000000e+00> : vector<128x1024xf32>
    %dot_general3A_21 = tpu.matmul %mul3A_14, %get3A_19, %dot_general3A_20 {dimension_numbers = #tpu.dot_dimension_numbers<[1], [0], [0], [1], [0, 0, 1, 1], [], []>, transpose_lhs_hint = false} : vector<128x512xf32>, vector<512x1024xf32>, vector<128x1024xf32> -> vector<128x1024xf32>
    %swap3A = arith.constant 0 : index
    %swap3A_22 = arith.constant 0 : index
    %swap3A_23 = vector.load %arg5[%swap3A, %swap3A_22] : memref<128x1024xf32, #tpu.memory_space<vmem>>, vector<128x1024xf32>
    tpu.vector_store %arg5[%swap3A, %swap3A_22], %dot_general3A_21 {strides = array<i32>} : memref<128x1024xf32, #tpu.memory_space<vmem>>, vector<128x1024xf32>,
    return
  }
  func.func @transform_0(%arg0: i32, %arg1: memref<80xi32, #tpu.memory_space<smem>>) -> (i32, i32) {
    %c0_i32 = arith.constant 0 : i32
    %c0_i32_0 = arith.constant 0 : i32
    return %arg0, %c0_i32 : i32, i32
  }
  func.func @transform_1(%arg0: i32, %arg1: memref<80xi32, #tpu.memory_space<smem>>) -> (i32, i32, i32) {
    %get3A = arith.index_cast %arg0 : i32 to index
    %get3A_0 = memref.load %arg1[%get3A] : memref<80xi32, #tpu.memory_space<smem>>
    %c0_i32 = arith.constant 0 : i32
    %c0_i32_1 = arith.constant 0 : i32
    %c0_i32_2 = arith.constant 0 : i32
    return %get3A_0, %c0_i32, %c0_i32_1 : i32, i32, i32
  }
  func.func @transform_2(%arg0: i32, %arg1: memref<80xi32, #tpu.memory_space<smem>>) -> (i32, i32, i32) {
    %get3A = arith.index_cast %arg0 : i32 to index
    %get3A_0 = memref.load %arg1[%get3A] : memref<80xi32, #tpu.memory_space<smem>>
    %c0_i32 = arith.constant 0 : i32
    %c0_i32_1 = arith.constant 0 : i32
    %c0_i32_2 = arith.constant 0 : i32
    return %get3A_0, %c0_i32, %c0_i32_1 : i32, i32, i32
  }
  func.func @transform_3(%arg0: i32, %arg1: memref<80xi32, #tpu.memory_space<smem>>) -> (i32, i32) {
    %c0_i32 = arith.constant 0 : i32
    %c0_i32_0 = arith.constant 0 : i32
    return %arg0, %c0_i32 : i32, i32
  }
}

module attributes {stable_mosaic.version = 14 : i64} {
  func.func @_add_body(%arg0: i32, %arg1: memref<256x1024xf32, #tpu.memory_space<vmem>>, %arg2: memref<256x1024xf32, #tpu.memory_space<vmem>>, %arg3: memref<256x1024xf32, #tpu.memory_space<vmem>>) attributes {dimension_semantics = [#tpu.dimension_semantics<arbitrary>], iteration_bounds = array<i64: 8>, scalar_prefetch = 0 : i64, scratch_operands = 0 : i64, tpu.core_type = #tpu.core_type<tc>, window_params = [{transform_indices = @transform_0, window_bounds = array<i64: 256, 1024>}, {transform_indices = @transform_1, window_bounds = array<i64: 256, 1024>}, {transform_indices = @transform_2, window_bounds = array<i64: 256, 1024>}]} {
    %get3A = arith.constant 0 : index
    %get3A_0 = arith.constant 0 : index
    %get3A_1 = vector.load %arg1[%get3A, %get3A_0] : memref<256x1024xf32, #tpu.memory_space<vmem>>, vector<256x1024xf32>
    %get3A_2 = arith.constant 0 : index
    %get3A_3 = arith.constant 0 : index
    %get3A_4 = vector.load %arg2[%get3A_2, %get3A_3] : memref<256x1024xf32, #tpu.memory_space<vmem>>, vector<256x1024xf32>
    %add3A = arith.addf %get3A_1, %get3A_4 : vector<256x1024xf32>
    %swap3A = arith.constant 0 : index
    %swap3A_5 = arith.constant 0 : index
    %swap3A_6 = vector.load %arg3[%swap3A, %swap3A_5] : memref<256x1024xf32, #tpu.memory_space<vmem>>, vector<256x1024xf32>
    tpu.vector_store %arg3[%swap3A, %swap3A_5], %add3A {strides = array<i32>} : memref<256x1024xf32, #tpu.memory_space<vmem>>, vector<256x1024xf32>,
    return
  }
  func.func @transform_0(%arg0: i32) -> (i32, i32) {
    %c0_i32 = arith.constant 0 : i32
    %c0_i32_0 = arith.constant 0 : i32
    return %arg0, %c0_i32 : i32, i32
  }
  func.func @transform_1(%arg0: i32) -> (i32, i32) {
    %c0_i32 = arith.constant 0 : i32
    %c0_i32_0 = arith.constant 0 : i32
    return %arg0, %c0_i32 : i32, i32
  }
  func.func @transform_2(%arg0: i32) -> (i32, i32) {
    %c0_i32 = arith.constant 0 : i32
    %c0_i32_0 = arith.constant 0 : i32
    return %arg0, %c0_i32 : i32, i32
  }
}

</mosaic_0001>

<sc_bundles>
// kernel: gather_offload_async_start
scs
__scs_entry_jumppad:
0x0: {  	(pc) =	sbr.rel $0x88, $3  }
0x1: {  	(tag) =	ssettag $0x0;
	lr =	simm.s32 $0x1  }
0x2: {  	[smem:$0x3F9B] =	sst lr;
	_ =	strace $0xD0000000  }
0x3: {  	_ = 	snop  }
0x4: {  	_ = 	snop  }
0x5: {  	_ = 	snop  }
0x6: {  	_ = 	snop  }
0x7: {  	_ = 	snop  }
__scs_overlays_trampoline_lowered:
0x8: {  	[smem:$0x3FAA] =	sst s0  }
0x9: {  	[smem:$0x3FAB] =	sst s1  }
0xa: {  	[smem:$0x3FAC] =	sst s2  }
0xb: {  	[smem:$0x3FAD] =	sst s3  }
0xc: {  	[smem:$0x3FAE] =	sst s4  }
0xd: {  	[smem:$0x3FAF] =	sst s5  }
0xe: {  	[smem:$0x3FB0] =	sst s6  }
0xf: {  	[smem:$0x3FB1] =	sst s7  }
0x10: {  	[smem:$0x3FB2] =	sst s8  }
0x11: {  	[smem:$0x3FB3] =	sst s9;
	s0 =	simm.s32 @!p0 $0x0  }
0x12: {  	s1 =	sld [smem:$0x3F99];
	s0 =	simm.s32 @p0 $0x1  }
0x13: {  	[smem:$0x3FB4] =	sst s0;
	s0 =	simm.s32 @!p1 $0x0  }
0x14: {  	s2 =	sld [smem:$0x3F98];
	s0 =	simm.s32 @p1 $0x1  }
0x15: {  	[smem:$0x3FB5] =	sst s0;
	s0 =	simm.s32 @!p2 $0x0  }
0x16: {  	s3 =	sld [smem:$0x3FDB];
	s0 =	simm.s32 @p2 $0x1  }
0x17: {  	s4 =	simm.s32 $0x1BF5;
	[smem:$0x3FB7] =	sst s0  }
0x18: {  	s0 =	sld [smem:$0x3F9A];
	_ =	swait.ge [sflag:s4], $0x0  }
0x19: {  	s7 =	sld [smem:$0x3F9B]  }
0x1a: {  	s8 =	sadd.s32 $0xFFFFE003, lr  }
0x1b: {  	s9 =	sadd.s32 $0xFFFFFEF7, lr;
	s5 =	simm.s32 $0xFFFFFFFF;
	p2 =	slt.u32 s8, $0xFFFFF086  }
0x1c: {  	p1 =	slt.u32 s9, $0xF7A;
	s5 =	simm.s32 @!p2 $0x0  }
0x1d: {  	s5 =	simm.s32 @p1 $0x1;
	p0 =	seq.s32 s7, s2  }
0x1e: {  	s7 =	smul.u32 @!p0 $0xF7A, s2;
	p2 =	seq.s32 @!p0 s5, $0x0  }
0x1f: {  	s9 =	smul.u32 $0xF7A, s1;
	s8 =	simm.s32 @!p0 $0x1BF5;
	p2 =	por !p2, p0  }
0x20: {  	[sflag:s8] =	ssyncset.s32 @!p0 $0xFFFFF086;
	s6 =	sadd.s32 @!p0 s3, s7;
	s7 =	simm.s32 @!p0 $0x108  }
0x21: {  	s3 =	sadd.s32 s3, s9;
	s6 =	sadd.s32 @!p0 $0x88, s6;
	s7 =	simm.s32 @p2 $0x1082  }
0x22: {  	[simem:s7], [sflag:s8] =	dma.local @!p0 [hbm:s6], $0xF7A  }
0x23: {  	s9 =	sor.u32 $0xD0000000, s2;
	s6 =	simm.s32 $0x108;
	_ =	swait.ge @!p0 [sflag:s8], $0x0  }
0x24: {  	s3 =	sadd.s32 $0x88, s3;
	s6 =	simm.s32 @!p1 $0x1082;
	[sflag:s4] =	ssyncset.s32 $0xFFFFF086  }
0x25: {  	[simem:s6], [sflag:s4] =	dma.local [hbm:s3], $0xF7A  }
0x26: {  	[smem:$0x3F9B] =	sst s1;
	(tag) =	ssettag s2;
	_ =	strace s9  }
0x27: {  	s1 =	sld [smem:$0x3FAB]  }
0x28: {  	s2 =	sld [smem:$0x3FAC]  }
0x29: {  	s4 =	sld [smem:$0x3FAE]  }
0x2a: {  	p0 =	seq.s32 s5, $0x0;
	s5 =	sld [smem:$0x3FAF]  }
0x2b: {  	s6 =	sld [smem:$0x3FB0]  }
0x2c: {  	s7 =	sld [smem:$0x3FB1]  }
0x2d: {  	s3 =	simm.s32 $0x108;
	s8 =	sld [smem:$0x3FB2]  }
0x2e: {  	s3 =	simm.s32 @!p0 $0x1082;
	s9 =	sld [smem:$0x3FB3]  }
0x2f: {  	lr =	sadd.s32 s0, s3;
	s0 =	sld [smem:$0x3FAA]  }
0x30: {  	s3 =	sld [smem:$0x3FAD]  }
0x31: {  	[smem:$0x3FB6] =	sst s10  }
0x32: {  	s10 =	sld [smem:$0x3FB4];
	_ =	sdelay $0x3  }
0x33: {  	p0 =	seq.s32 s10, $0x1;
	s10 =	sld [smem:$0x3FB6];
	_ =	sdelay $0x3  }
0x34: {  	[smem:$0x3FB6] =	sst s10  }
0x35: {  	s10 =	sld [smem:$0x3FB5];
	_ =	sdelay $0x3  }
0x36: {  	p1 =	seq.s32 s10, $0x1;
	s10 =	sld [smem:$0x3FB6];
	_ =	sdelay $0x3  }
0x37: {  	[smem:$0x3FB6] =	sst s10  }
0x38: {  	s10 =	sld [smem:$0x3FB7]  }
0x39: {  	_ = 	snop;
	(pc) =	sbr.ind lr, $3  }
0x3a: {  	_ = 	snop  }
0x3b: {  	_ = 	snop  }
0x3c: {  	p2 =	seq.s32 s10, $0x1;
	s10 =	sld [smem:$0x3FB6]  }
0x3d: {  	_ =	shalt  }
0x3e: {  	_ =	shalt  }
0x3f: {  	_ =	shalt  }
0x40: {  	_ =	shalt  }
0x41: {  	_ =	shalt  }
0x42: {  	_ =	shalt  }
0x43: {  	_ =	shalt  }
0x44: {  	_ =	shalt  }
0x45: {  	_ =	shalt  }
0x46: {  	_ =	shalt  }
0x47: {  	_ =	shalt  }
0x48: {  	_ =	shalt  }
0x49: {  	_ =	shalt  }
0x4a: {  	_ =	shalt  }
0x4b: {  	_ =	shalt  }
0x4c: {  	_ =	shalt  }
0x4d: {  	_ =	shalt  }
0x4e: {  	_ =	shalt  }
0x4f: {  	_ =	shalt  }
0x50: {  	_ =	shalt  }
0x51: {  	_ =	shalt  }
0x52: {  	_ =	shalt  }
0x53: {  	_ =	shalt  }
0x54: {  	_ =	shalt  }
0x55: {  	_ =	shalt  }
0x56: {  	_ =	shalt  }
0x57: {  	_ =	shalt  }
0x58: {  	_ =	shalt  }
0x59: {  	_ =	shalt  }
0x5a: {  	_ =	shalt  }
0x5b: {  	_ =	shalt  }
0x5c: {  	_ =	shalt  }
0x5d: {  	_ =	shalt  }
0x5e: {  	_ =	shalt  }
0x5f: {  	_ =	shalt  }
0x60: {  	_ =	shalt  }
0x61: {  	_ =	shalt  }
0x62: {  	_ =	shalt  }
0x63: {  	_ =	shalt  }
0x64: {  	_ =	shalt  }
0x65: {  	_ =	shalt  }
0x66: {  	_ =	shalt  }
0x67: {  	_ =	shalt  }
0x68: {  	_ =	shalt  }
0x69: {  	_ =	shalt  }
0x6a: {  	_ =	shalt  }
0x6b: {  	_ =	shalt  }
0x6c: {  	_ =	shalt  }
0x6d: {  	_ =	shalt  }
0x6e: {  	_ =	shalt  }
0x6f: {  	_ =	shalt  }
0x70: {  	_ =	shalt  }
0x71: {  	_ =	shalt  }
0x72: {  	_ =	shalt  }
0x73: {  	_ =	shalt  }
0x74: {  	_ =	shalt  }
0x75: {  	_ =	shalt  }
0x76: {  	_ =	shalt  }
0x77: {  	_ =	shalt  }
0x78: {  	_ =	shalt  }
0x79: {  	_ =	shalt  }
0x7a: {  	_ =	shalt  }
0x7b: {  	_ =	shalt  }
0x7c: {  	_ =	shalt  }
0x7d: {  	_ =	shalt  }
0x7e: {  	_ =	shalt  }
0x7f: {  	_ =	shalt  }
0x80: {  	_ =	shalt  }
0x81: {  	_ =	shalt  }
0x82: {  	_ =	shalt  }
0x83: {  	_ =	shalt  }
0x84: {  	_ =	shalt  }
0x85: {  	_ =	shalt  }
0x86: {  	_ =	shalt  }
0x87: {  	_ =	shalt  }
.Lfunc_end0:
.L_simem_size_0:
called_computation.1_lowered:
.L_overlay_start_0:
0x88: {  	s2 =	sld [smem:$0x3FD9]  }
0x89: {  	s3 =	sld [smem:$0x3FFE];
	_ =	sdelay $0x1  }
0x8a: {  	s1 =	srdreg.scid  }
0x8b: {  	s0 =	sand.u32 $0x1, s1  }
0x8c: {  	s16 =	sshll.u32 s0, $0xA;
	s2 =	sadd.s32 s3, s2  }
0x8d: {  	s2 =	sadd.s32 s2, s16  }
0x8e: {  	[smem:$0x3FC2] =	sst s2  }
0x8f: {  	_ = 	snop  }
0x90: {  	(tm) =	ssettm $0x1  }
0x91: {  	s17 =	sld [smem:$0x3FFB];
	_ =	sdelay $0x3  }
0x92: {  	_ =	strace s17  }
0x93: {  	s2 =	sld [smem:$0x3FFC];
	_ =	sdelay $0x3  }
0x94: {  	_ =	strace s2  }
0x95: {  	s2 =	sld [smem:$0x3FFD];
	_ =	sdelay $0x3  }
0x96: {  	_ =	strace s2  }
0x97: {  	_ =	strace $0x8FFFFFFF  }
0x98: {  	s18 =	sld [smem:$0x3FDB];
	_ =	sdelay $0x1  }
0x99: {  	s19 =	simm.s32 $_scs_section_size  }
0x9a: {  	s4 =	simm.s32 $_size__tile_overlayer_lowered;
	s5 =	simm.s32 $_tile_overlayer_lowered  }
0x9b: {  	s22 =	simm.s32 $0x1BFF;
	s21 =	sshll.u32 s5, $0x1;
	s2 =	sadd.s32 s19, s18  }
0x9c: {  	s6 =	simm.s32 $0x0;
	s20 =	sshll.u32 s4, $0x1;
	s4 =	sadd.s32 s21, s2  }
0x9d: {  	[timem:s6], [sflag:s22] =	dma.local [hbm:s4], s20  }
0x9e: {  	_ =	swait.ge [sflag:s22], s20  }
0x9f: {  	s3 =	ssub.s32 $0x0, s20;
	[sflag:s22] =	ssyncset.done $0x0  }
0xa0: {  	[sflag:s22] =	ssyncadd.s32 s3;
	_ =	sdelay $0x1  }
0xa1: {  	s23 =	simm.s32 $0x1B8B  }
0xa2: {  	_ =	swait.ge [sflag:s23], $0x1  }
0xa3: {  	[sflag:s23] =	ssyncset.done $0x0  }
0xa4: {  	s25 =	simm.s32 $0x1B8E;
	s24 =	sld [smem:$0x3FFE];
	[sflag:s23] =	ssyncadd.s32 $0xFFFFFFFF  }
0xa5: {  	s26 =	simm.s32 $execute0_lowered;
	[smem:$0x3FD2] =	sst s25  }
0xa6: {  	s4 =	sshll.u32 s26, $0x1;
	_ =	strace $0x80000049;
	[dreg:$0x1] =	wrdreg $0xFFFFFFFF  }
0xa7: {  	s28 =	simm.s32 $_size_execute0_lowered;
	s2 =	sadd.s32 s2, s4;
	[dreg:$0x0] =	wrdreg $0x0  }
0xa8: {  	s4 =	sshll.u32 s28, $0x1;
	[dreg:$0x2] =	wrdreg s2  }
0xa9: {  	[dreg:$0x3] =	wrdreg s4  }
0xaa: {  	[dreg:$0x4] =	wrdreg $0xC0  }
0xab: {  	_ =	task [dreg:s6], $0x5FFFF  }
0xac: {  	[dreg:$0x1] =	wrdreg $0xFFFFFFFF  }
0xad: {  	[dreg:$0x0] =	wrdreg $0x60  }
0xae: {  	[dreg:$0x2] =	wrdreg s24  }
0xaf: {  	[dreg:$0x3] =	wrdreg $0x9  }
0xb0: {  	_ =	task.clear_ibuf [dreg:s6], $0x4FFFF;
	_ =	strace $0x90000049  }
0xb1: {  	s29 =	simm.s32 $0x9;
	_ =	strace $0x8000004B  }
0xb2: {  	_ =	swait.ge [sflag:s29], $0x1  }
0xb3: {  	[sflag:s29] =	ssyncadd.s32 $0xFFFFFFFF  }
0xb4: {  	_ =	strace $0x9000004B  }
0xb5: {  	_ =	sfence  }
0xb6: {  	s30 =	sld [smem:$0x0];
	_ =	sdelay $0x2  }
0xb7: {  	s31 =	sshll.u32 s1, $0xD;
	s1 =	sshrl.u32 s1, $0x2  }
0xb8: {  	s3 =	sand.u32 $0x4000, s31;
	s1 =	sadd.s32 s1, s30  }
0xb9: {  	s0 =	sor.u32 s3, s0;
	s1 =	sshll.u32 s1, $0x11  }
0xba: {  	s0 =	sor.u32 s1, s0  }
0xbb: {  	s0 =	sadd.s32 $0x8F2B, s0  }
0xbc: {  	[sflag:s0] =	ssyncadd.remote.s32 $0x1  }
0xbd: {  	_ =	sfence.sel $0xFFFF  }
0xbe: {  	[dreg:$0x0] =	wrdreg $0xFFFFFFFF;
	(pc) =	sbr.abs _section_cstart, $3  }
0xbf: {  	[dreg:$0x1] =	wrdreg $0xFFFFFFFF  }
0xc0: {  	_ =	task.clear_ibuf [dreg:s6], $0x2FFFF;
	_ =	strace $0x9FFFFFFF  }
0xc1: {  	(tm) =	ssettm $0x7FFFFFFF  }
tec
execute0_lowered:
.L_overlay_start_1:
0x0: {  	(tag) =	ssettag $0x1  }
0x1: {  	s1 =	srdreg.scid  }
0x2: {  	s0 =	stileid.u32;
	s2 =	rddreg [dreg:$0x0];
	s1 =	sshll.u32 s1, $0x5  }
0x3: {  	s6 =	simm.s32 $0x1;
	s3 =	sshll.u32 s0, $0x6;
	s1 =	sand.u32 $0x20, s1  }
0x4: {  	s30 =	simm.s32 $0x2;
	s31 =	simm.s32 $0x3;
	s3 =	sor.u32 s3, s1  }
0x5: {  	s11 =	simm.s32 $0x0;
	s8 =	simm.s32 $0x0;
	s5 =	ssub.s32 $0x800, s3  }
0x6: {  	s9 =	simm.s32 $0x0;
	s4 =	sadd.s32 $0x800, s2;
	s7 =	sand.u32 $0x3E0, s5  }
0x7: {  	s1 =	rddreg [dreg:$0x1];
	_ =	strace $0x8000004A;
	p0 =	sne.s32 s7, $0x0  }
0x8: {  	[sflag:s6] =	ssyncpa.u1 $0x0;
	s5 =	sshrl.u32 s5, $0xA;
	s6 =	simm.s32 @!p0 $0x0  }
0x9: {  	s10 =	smov.u32 s3;
	[sflag:s30] =	ssyncpa.u1 $0x0;
	s5 =	sadd.s32 s6, s5  }
0xa: {  	[sflag:s31] =	ssyncpa.u1 $0x0;
	s6 =	sadd.s32 $0xDE00, s2;
	s7 =	sadd.s32 $0x1, s5  }
.LBB2_1:
0xb: {  	p0 =	sge.u32 s9, s5  }
0xc: {  	s31 =	sadd.s32 $0xFFFFFFFF, s9;
	s12 =	sxor.u32 @!p0 $0xFFFFFFFF, s8;
	s13 =	sshrl.u32 @!p0 s10, $0x3  }
0xd: {  	s14 =	sand.u32 @!p0 $0x7, s10;
	s12 =	sand.u32 @!p0 $0x20, s12;
	s13 =	sadd.s32 @!p0 s4, s13  }
0xe: {  	[tilespmem:s12], [sflag:$0x2] =	stream.linear.gather @!p0 [hbm4b:s13+s14], $0x20, $0x38;
	[tilespmem:$0x80] =	vst v63  }
0xf: {  	p0 =	sge.u32 s31, s5  }
0x10: {  	s12 =	simm.s32 @!p0 $0x2  }
0x11: {  	_ =	swait.ge @!p0 [sflag:s12], $0x20  }
0x12: {  	[sflag:s12] =	ssyncset.done @!p0 $0x0  }
0x13: {  	[sflag:s12] =	ssyncadd.s32 @!p0 $0xFFFFFFE0;
	s12 =	sand.u32 @!p0 $0x20, s8  }
0x14: {  	(ifvalue) =	ssetifvalue @!p0 $0x7FFFFFFF;
	v0 =	vld.msk @!p0 [tilespmem:s12+$0x0 ss:$0x1], $0xffff;
	_ =	sdelay $0x4  }
0x15: {  	vm0 =	vgt.s32 @!p0 v0, $0x0  }
0x16: {  	v0 =	vnsel @!p0 vm0, $0x0, v0  }
0x17: {  	v0 =	vmin.u32 @!p0 v0, $0x7FF;
	_ =	sdelay $0x2  }
0x18: {  	s14 =	simm.s32 @!p0 $0x0  }
0x19: {  	s13 =	sor.u32 @!p0 $0x40, s12;
	(ifvalue) =	ssetifvalue @!p0 $0x7FFFFFFF;
	s15 =	sor.u32 @!p0 $0x10, s12;
	vm0 =	vmmov @!p0 $0xffff  }
0x1a: {  	[tilespmem:s13], [sflag:$0x1] =	stream.indirect_vreg.gather @!p0 [hbm4b:s2+s14], $0x1, v0, vm0, $0x4038;
	[tilespmem:$0x80] =	vst v63  }
0x1b: {  	v0 =	vld.msk @!p0 [tilespmem:s15+$0x0 ss:$0x1], $0xffff;
	_ =	sdelay $0x4  }
0x1c: {  	vm1 =	vgt.s32 @!p0 v0, $0x0  }
0x1d: {  	v0 =	vnsel @!p0 vm1, $0x0, v0  }
0x1e: {  	v0 =	vmin.u32 @!p0 v0, $0x7FF;
	_ =	sdelay $0x3  }
0x1f: {  	s12 =	sor.u32 @!p0 $0x50, s12;
	(ifvalue) =	ssetifvalue @!p0 $0x7FFFFFFF  }
0x20: {  	[tilespmem:s12], [sflag:$0x1] =	stream.indirect_vreg.gather @!p0 [hbm4b:s2+s14], $0x1, v0, vm0, $0x4038;
	[tilespmem:$0x80] =	vst v63  }
0x21: {  	s12 =	simm.s32 @!p0 $0x1  }
0x22: {  	_ =	swait.ge @!p0 [sflag:s12], $0x20  }
0x23: {  	s14 =	sshrl.u32 @!p0 s11, $0x3;
	[sflag:s12] =	ssyncset.done @!p0 $0x0  }
0x24: {  	s11 =	sand.u32 @!p0 $0x7, s11;
	[sflag:s12] =	ssyncadd.s32 @!p0 $0xFFFFFFE0;
	s12 =	sadd.s32 @!p0 s6, s14  }
0x25: {  	[hbm4b:s12+s11] =	stream.linear.scatter @!p0 [tilespmem:s13], [sflag:$0x3], $0x20, $0x38;
	[tilespmem:$0x80] =	vst v63  }
0x26: {  	s13 =	sadd.s32 $0x400, s10  }
0x27: {  	p1 =	sgt.s32 s13, $0x7FF  }
0x28: {  	s13 =	smov.u32 @p1 s3;
	p1 =	sne.s32 s9, s7  }
.Ltmp0:
0x29: {  	p0 =	slt.u32 s9, $0x2;
	(pc) =	sbr.rel @p1 .LBB2_1-.Ltmp0, $4  }
0x2a: {  	s12 =	simm.s32 @!p0 $0x3  }
0x2b: {  	_ =	swait.ge @!p0 [sflag:s12], $0x20  }
0x2c: {  	s8 =	sadd.s32 $0x20, s8;
	s11 =	smov.u32 s10;
	[sflag:s12] =	ssyncset.done @!p0 $0x0  }
0x2d: {  	s9 =	sadd.s32 $0x1, s9;
	s10 =	smov.u32 s13;
	[sflag:s12] =	ssyncadd.s32 @!p0 $0xFFFFFFE0  }
0x2e: {  	_ =	sfence.sel $0x180000  }
0x2f: {  	s2 =	simm.s32 $0x2;
	[bflag:$0x0] =	sbarrier.arrive $0xFFFF  }
0x30: {  	s30 =	simm.s32 $0x3;
	[sflag:s2] =	ssyncpa.u1 $0x1  }
0x31: {  	s31 =	simm.s32 $0x1;
	[sflag:s30] =	ssyncpa.u1 $0x1  }
0x32: {  	[sflag:s31] =	ssyncpa.u1 $0x1  }
0x33: {  	p0 =	sne.s32 s0, $0x0;
	_ =	strace $0x9000004A  }
0x34: {  	s0 =	sadd.s32 @!p0 $0x100000, s1;
	[bflag:$0x2] =	sbarrier.arrive $0xFFFF  }
0x35: {  	[sflag:s0] =	ssyncadd.tile.s32 @!p0 $0x1;
	_ =	shalt  }
.Lfunc_end2:
_tile_overlayer_lowered:
.L_overlay_start_2:
0x36: {  	(tag) =	ssettag $0x2  }
0x37: {  	s0 =	rddreg [dreg:$0x0];
	s2 =	stileid.u32  }
0x38: {  	s1 =	rddreg [dreg:$0x1];
	p0 =	sne.s32 s2, $0x0  }
0x39: {  	s3 =	rddreg [dreg:$0x2];
	[bflag:$0x3] =	sbarrier.arrive $0xFFFF;
	s2 =	simm.s32 @!p0 $0x1C01  }
0x3a: {  	[timem:s3], [sflag:s2] =	dma.local @!p0 [hbm:s0], s1  }
0x3b: {  	s0 =	simm.s32 @!p0 $0x1  }
0x3c: {  	_ =	swait.ge @!p0 [sflag:s0], s1  }
0x3d: {  	s1 =	ssub.s32 @!p0 $0x0, s1;
	[sflag:s0] =	ssyncset.done @!p0 $0x0  }
0x3e: {  	[sflag:s0] =	ssyncadd.s32 @!p0 s1  }
0x3f: {  	[bflag:$0x3] =	sbarrier.arrive $0xFFFF  }
0x40: {  	_ =	shalt  }

// kernel: scatter_offload_async_start
scs
__scs_entry_jumppad:
0x0: {  	(pc) =	sbr.rel $0x88, $3  }
0x1: {  	(tag) =	ssettag $0x0;
	lr =	simm.s32 $0x1  }
0x2: {  	[smem:$0x3F9B] =	sst lr;
	_ =	strace $0xD0000000  }
0x3: {  	_ = 	snop  }
0x4: {  	_ = 	snop  }
0x5: {  	_ = 	snop  }
0x6: {  	_ = 	snop  }
0x7: {  	_ = 	snop  }
__scs_overlays_trampoline_lowered:
0x8: {  	[smem:$0x3FAA] =	sst s0  }
0x9: {  	[smem:$0x3FAB] =	sst s1  }
0xa: {  	[smem:$0x3FAC] =	sst s2  }
0xb: {  	[smem:$0x3FAD] =	sst s3  }
0xc: {  	[smem:$0x3FAE] =	sst s4  }
0xd: {  	[smem:$0x3FAF] =	sst s5  }
0xe: {  	[smem:$0x3FB0] =	sst s6  }
0xf: {  	[smem:$0x3FB1] =	sst s7  }
0x10: {  	[smem:$0x3FB2] =	sst s8  }
0x11: {  	[smem:$0x3FB3] =	sst s9;
	s0 =	simm.s32 @!p0 $0x0  }
0x12: {  	s1 =	sld [smem:$0x3F99];
	s0 =	simm.s32 @p0 $0x1  }
0x13: {  	[smem:$0x3FB4] =	sst s0;
	s0 =	simm.s32 @!p1 $0x0  }
0x14: {  	s2 =	sld [smem:$0x3F98];
	s0 =	simm.s32 @p1 $0x1  }
0x15: {  	[smem:$0x3FB5] =	sst s0;
	s0 =	simm.s32 @!p2 $0x0  }
0x16: {  	s3 =	sld [smem:$0x3FDB];
	s0 =	simm.s32 @p2 $0x1  }
0x17: {  	s4 =	simm.s32 $0x1BF5;
	[smem:$0x3FB7] =	sst s0  }
0x18: {  	s0 =	sld [smem:$0x3F9A];
	_ =	swait.ge [sflag:s4], $0x0  }
0x19: {  	s7 =	sld [smem:$0x3F9B]  }
0x1a: {  	s8 =	sadd.s32 $0xFFFFE003, lr  }
0x1b: {  	s9 =	sadd.s32 $0xFFFFFEF7, lr;
	s5 =	simm.s32 $0xFFFFFFFF;
	p2 =	slt.u32 s8, $0xFFFFF086  }
0x1c: {  	p1 =	slt.u32 s9, $0xF7A;
	s5 =	simm.s32 @!p2 $0x0  }
0x1d: {  	s5 =	simm.s32 @p1 $0x1;
	p0 =	seq.s32 s7, s2  }
0x1e: {  	s7 =	smul.u32 @!p0 $0xF7A, s2;
	p2 =	seq.s32 @!p0 s5, $0x0  }
0x1f: {  	s9 =	smul.u32 $0xF7A, s1;
	s8 =	simm.s32 @!p0 $0x1BF5;
	p2 =	por !p2, p0  }
0x20: {  	[sflag:s8] =	ssyncset.s32 @!p0 $0xFFFFF086;
	s6 =	sadd.s32 @!p0 s3, s7;
	s7 =	simm.s32 @!p0 $0x108  }
0x21: {  	s3 =	sadd.s32 s3, s9;
	s6 =	sadd.s32 @!p0 $0x88, s6;
	s7 =	simm.s32 @p2 $0x1082  }
0x22: {  	[simem:s7], [sflag:s8] =	dma.local @!p0 [hbm:s6], $0xF7A  }
0x23: {  	s9 =	sor.u32 $0xD0000000, s2;
	s6 =	simm.s32 $0x108;
	_ =	swait.ge @!p0 [sflag:s8], $0x0  }
0x24: {  	s3 =	sadd.s32 $0x88, s3;
	s6 =	simm.s32 @!p1 $0x1082;
	[sflag:s4] =	ssyncset.s32 $0xFFFFF086  }
0x25: {  	[simem:s6], [sflag:s4] =	dma.local [hbm:s3], $0xF7A  }
0x26: {  	[smem:$0x3F9B] =	sst s1;
	(tag) =	ssettag s2;
	_ =	strace s9  }
0x27: {  	s1 =	sld [smem:$0x3FAB]  }
0x28: {  	s2 =	sld [smem:$0x3FAC]  }
0x29: {  	s4 =	sld [smem:$0x3FAE]  }
0x2a: {  	p0 =	seq.s32 s5, $0x0;
	s5 =	sld [smem:$0x3FAF]  }
0x2b: {  	s6 =	sld [smem:$0x3FB0]  }
0x2c: {  	s7 =	sld [smem:$0x3FB1]  }
0x2d: {  	s3 =	simm.s32 $0x108;
	s8 =	sld [smem:$0x3FB2]  }
0x2e: {  	s3 =	simm.s32 @!p0 $0x1082;
	s9 =	sld [smem:$0x3FB3]  }
0x2f: {  	lr =	sadd.s32 s0, s3;
	s0 =	sld [smem:$0x3FAA]  }
0x30: {  	s3 =	sld [smem:$0x3FAD]  }
0x31: {  	[smem:$0x3FB6] =	sst s10  }
0x32: {  	s10 =	sld [smem:$0x3FB4];
	_ =	sdelay $0x3  }
0x33: {  	p0 =	seq.s32 s10, $0x1;
	s10 =	sld [smem:$0x3FB6];
	_ =	sdelay $0x3  }
0x34: {  	[smem:$0x3FB6] =	sst s10  }
0x35: {  	s10 =	sld [smem:$0x3FB5];
	_ =	sdelay $0x3  }
0x36: {  	p1 =	seq.s32 s10, $0x1;
	s10 =	sld [smem:$0x3FB6];
	_ =	sdelay $0x3  }
0x37: {  	[smem:$0x3FB6] =	sst s10  }
0x38: {  	s10 =	sld [smem:$0x3FB7]  }
0x39: {  	_ = 	snop;
	(pc) =	sbr.ind lr, $3  }
0x3a: {  	_ = 	snop  }
0x3b: {  	_ = 	snop  }
0x3c: {  	p2 =	seq.s32 s10, $0x1;
	s10 =	sld [smem:$0x3FB6]  }
0x3d: {  	_ =	shalt  }
0x3e: {  	_ =	shalt  }
0x3f: {  	_ =	shalt  }
0x40: {  	_ =	shalt  }
0x41: {  	_ =	shalt  }
0x42: {  	_ =	shalt  }
0x43: {  	_ =	shalt  }
0x44: {  	_ =	shalt  }
0x45: {  	_ =	shalt  }
0x46: {  	_ =	shalt  }
0x47: {  	_ =	shalt  }
0x48: {  	_ =	shalt  }
0x49: {  	_ =	shalt  }
0x4a: {  	_ =	shalt  }
0x4b: {  	_ =	shalt  }
0x4c: {  	_ =	shalt  }
0x4d: {  	_ =	shalt  }
0x4e: {  	_ =	shalt  }
0x4f: {  	_ =	shalt  }
0x50: {  	_ =	shalt  }
0x51: {  	_ =	shalt  }
0x52: {  	_ =	shalt  }
0x53: {  	_ =	shalt  }
0x54: {  	_ =	shalt  }
0x55: {  	_ =	shalt  }
0x56: {  	_ =	shalt  }
0x57: {  	_ =	shalt  }
0x58: {  	_ =	shalt  }
0x59: {  	_ =	shalt  }
0x5a: {  	_ =	shalt  }
0x5b: {  	_ =	shalt  }
0x5c: {  	_ =	shalt  }
0x5d: {  	_ =	shalt  }
0x5e: {  	_ =	shalt  }
0x5f: {  	_ =	shalt  }
0x60: {  	_ =	shalt  }
0x61: {  	_ =	shalt  }
0x62: {  	_ =	shalt  }
0x63: {  	_ =	shalt  }
0x64: {  	_ =	shalt  }
0x65: {  	_ =	shalt  }
0x66: {  	_ =	shalt  }
0x67: {  	_ =	shalt  }
0x68: {  	_ =	shalt  }
0x69: {  	_ =	shalt  }
0x6a: {  	_ =	shalt  }
0x6b: {  	_ =	shalt  }
0x6c: {  	_ =	shalt  }
0x6d: {  	_ =	shalt  }
0x6e: {  	_ =	shalt  }
0x6f: {  	_ =	shalt  }
0x70: {  	_ =	shalt  }
0x71: {  	_ =	shalt  }
0x72: {  	_ =	shalt  }
0x73: {  	_ =	shalt  }
0x74: {  	_ =	shalt  }
0x75: {  	_ =	shalt  }
0x76: {  	_ =	shalt  }
0x77: {  	_ =	shalt  }
0x78: {  	_ =	shalt  }
0x79: {  	_ =	shalt  }
0x7a: {  	_ =	shalt  }
0x7b: {  	_ =	shalt  }
0x7c: {  	_ =	shalt  }
0x7d: {  	_ =	shalt  }
0x7e: {  	_ =	shalt  }
0x7f: {  	_ =	shalt  }
0x80: {  	_ =	shalt  }
0x81: {  	_ =	shalt  }
0x82: {  	_ =	shalt  }
0x83: {  	_ =	shalt  }
0x84: {  	_ =	shalt  }
0x85: {  	_ =	shalt  }
0x86: {  	_ =	shalt  }
0x87: {  	_ =	shalt  }
.Lfunc_end0:
.L_simem_size_0:
called_computation_lowered:
.L_overlay_start_0:
0x88: {  	s0 =	sld [smem:$0x3FD9]  }
0x89: {  	s1 =	sld [smem:$0x3FFE];
	_ =	sdelay $0x3  }
0x8a: {  	s0 =	sadd.s32 s1, s0  }
0x8b: {  	[smem:$0x3FC2] =	sst s0  }
0x8c: {  	_ = 	snop  }
0x8d: {  	(tm) =	ssettm $0x1  }
0x8e: {  	s15 =	sld [smem:$0x3FFB];
	_ =	sdelay $0x3  }
0x8f: {  	_ =	strace s15  }
0x90: {  	s0 =	sld [smem:$0x3FFC];
	_ =	sdelay $0x3  }
0x91: {  	_ =	strace s0  }
0x92: {  	s0 =	sld [smem:$0x3FFD];
	_ =	sdelay $0x3  }
0x93: {  	_ =	strace s0  }
0x94: {  	_ =	strace $0x8FFFFFFF  }
0x95: {  	s16 =	sld [smem:$0x3FDB];
	_ =	sdelay $0x1  }
0x96: {  	s17 =	simm.s32 $_scs_section_size  }
0x97: {  	s2 =	simm.s32 $_size__tile_overlayer_lowered;
	s3 =	simm.s32 $_tile_overlayer_lowered  }
0x98: {  	s20 =	simm.s32 $0x1BFF;
	s19 =	sshll.u32 s3, $0x1;
	s0 =	sadd.s32 s17, s16  }
0x99: {  	s4 =	simm.s32 $0x0;
	s18 =	sshll.u32 s2, $0x1;
	s2 =	sadd.s32 s19, s0  }
0x9a: {  	[timem:s4], [sflag:s20] =	dma.local [hbm:s2], s18  }
0x9b: {  	_ =	swait.ge [sflag:s20], s18  }
0x9c: {  	s1 =	ssub.s32 $0x0, s18;
	[sflag:s20] =	ssyncset.done $0x0  }
0x9d: {  	[sflag:s20] =	ssyncadd.s32 s1;
	_ =	sdelay $0x1  }
0x9e: {  	s21 =	simm.s32 $0x1B8B  }
0x9f: {  	_ =	swait.ge [sflag:s21], $0x1  }
0xa0: {  	[sflag:s21] =	ssyncset.done $0x0  }
0xa1: {  	s23 =	simm.s32 $0x1B8E;
	s22 =	sld [smem:$0x3FFE];
	[sflag:s21] =	ssyncadd.s32 $0xFFFFFFFF  }
0xa2: {  	s24 =	simm.s32 $execute0_lowered;
	[smem:$0x3FD2] =	sst s23  }
0xa3: {  	s2 =	sshll.u32 s24, $0x1;
	_ =	strace $0x80000046;
	[dreg:$0x1] =	wrdreg $0xFFFFFFFF  }
0xa4: {  	s25 =	simm.s32 $_size_execute0_lowered;
	s0 =	sadd.s32 s0, s2;
	[dreg:$0x0] =	wrdreg $0x0  }
0xa5: {  	s2 =	sshll.u32 s25, $0x1;
	[dreg:$0x2] =	wrdreg s0  }
0xa6: {  	[dreg:$0x3] =	wrdreg s2  }
0xa7: {  	[dreg:$0x4] =	wrdreg $0xC0  }
0xa8: {  	_ =	task [dreg:s4], $0x5FFFF  }
0xa9: {  	[dreg:$0x1] =	wrdreg $0xFFFFFFFF  }
0xaa: {  	[dreg:$0x0] =	wrdreg $0x60  }
0xab: {  	[dreg:$0x2] =	wrdreg s22  }
0xac: {  	[dreg:$0x3] =	wrdreg $0x9  }
0xad: {  	_ =	task.clear_ibuf [dreg:s4], $0x4FFFF;
	_ =	strace $0x90000046  }
0xae: {  	s26 =	simm.s32 $0x9;
	_ =	strace $0x80000048  }
0xaf: {  	_ =	swait.ge [sflag:s26], $0x1  }
0xb0: {  	[sflag:s26] =	ssyncadd.s32 $0xFFFFFFFF  }
0xb1: {  	_ =	strace $0x90000048  }
0xb2: {  	_ =	sfence  }
0xb3: {  	s28 =	sld [smem:$0x0];
	_ =	sdelay $0x1  }
0xb4: {  	s29 =	srdreg.scid  }
0xb5: {  	s30 =	sshll.u32 s29, $0xD;
	s31 =	sshrl.u32 s29, $0x2  }
0xb6: {  	s1 =	sand.u32 $0x1, s29;
	s2 =	sand.u32 $0x4000, s30;
	s0 =	sadd.s32 s31, s28  }
0xb7: {  	s1 =	sor.u32 s2, s1;
	s0 =	sshll.u32 s0, $0x11  }
0xb8: {  	s0 =	sor.u32 s0, s1  }
0xb9: {  	s0 =	sadd.s32 $0x8F2B, s0  }
0xba: {  	[sflag:s0] =	ssyncadd.remote.s32 $0x1  }
0xbb: {  	_ =	sfence.sel $0xFFFF  }
0xbc: {  	[dreg:$0x0] =	wrdreg $0xFFFFFFFF;
	(pc) =	sbr.abs _section_cstart, $3  }
0xbd: {  	[dreg:$0x1] =	wrdreg $0xFFFFFFFF  }
0xbe: {  	_ =	task.clear_ibuf [dreg:s4], $0x2FFFF;
	_ =	strace $0x9FFFFFFF  }
0xbf: {  	(tm) =	ssettm $0x7FFFFFFF  }
tec
execute0_lowered:
.L_overlay_start_1:
0x0: {  	(tag) =	ssettag $0x1  }
0x1: {  	s4 =	rddreg [dreg:$0x0]  }
0x2: {  	s0 =	rddreg [dreg:$0x1];
	_ =	strace $0x80000047;
	s5 =	stileid.u32  }
0x3: {  	s3 =	simm.s32 $0x3E;
	s1 =	sadd.s32 $0x400, s4;
	p0 =	sne.s32 s5, $0x0  }
0x4: {  	[sflag:s3] =	ssyncpa.u1 $0x0;
	s6 =	simm.s32 @!p0 $0x1C3E;
	s2 =	simm.s32 @!p0 $0x0  }
0x5: {  	[spmem:s2], [sflag:s6] =	dma.local @!p0 [hbm:s1], $0x10  }
0x6: {  	s6 =	simm.s32 @!p0 $0x3E  }
0x7: {  	_ =	swait.ge @!p0 [sflag:s6], $0x10  }
0x8: {  	[sflag:s6] =	ssyncset.done @!p0 $0x0  }
0x9: {  	s13 =	simm.s32 $0x1;
	[sflag:s6] =	ssyncadd.s32 @!p0 $0xFFFFFFF0  }
0xa: {  	s7 =	simm.s32 $0x2;
	s8 =	simm.s32 $0x0;
	[bflag:$0x0] =	sbarrier.arrive $0xFFFF  }
0xb: {  	s9 =	simm.s32 $0x88;
	s14 =	sadd.s32 $0x200, s4;
	[sflag:s3] =	ssyncpa.u1 $0x1  }
0xc: {  	s4 =	sadd.s32 $0x600, s4;
	s5 =	sshll.u32 s5, $0x4;
	[sflag:s13] =	ssyncpa.u1 $0x0  }
0xd: {  	s6 =	sadd.s32 s14, s5;
	(ifvalue) =	ssetifvalue $0x80;
	[sflag:s7] =	ssyncpa.u1 $0x0  }
0xe: {  	[tilespmem:s9], [sflag:$0x2] =	stream.linear.gather [hbm4b:s6+s8], $0x80, $0x38;
	[tilespmem:$0x208] =	vst v63  }
0xf: {  	s15 =	simm.s32 $0x188;
	s4 =	sadd.s32 s4, s5  }
0x10: {  	[tilespmem:s15], [sflag:$0x2] =	stream.linear.gather [hbm4b:s4+s8], $0x80, $0x38;
	[tilespmem:$0x208] =	vst v63  }
0x11: {  	_ =	swait.ge [sflag:s7], $0x100  }
0x12: {  	[sflag:s7] =	ssyncset.done $0x0  }
0x13: {  	[sflag:s7] =	ssyncadd.s32 $0xFFFFFF00  }
0x14: {  	v0 =	vld.msk [tilespmem:s9+$0x0 ss:$0x1], $0xffff;
	_ =	sdelay $0x4  }
0x15: {  	v0 =	vmin.u32 v0, $0x80;
	_ =	sdelay $0x3  }
0x16: {  	vm0 =	vmmov $0xffff;
	s16 =	simm.s32 $0x98  }
0x17: {  	[spmem:s8] =	stream.indirect_vreg.scatter.add.s32 [tilespmem:s15], [sflag:$0x1], $0x1, v0, vm0, $0x4038;
	[tilespmem:$0x208] =	vst v63  }
0x18: {  	v0 =	vld.msk [tilespmem:s16+$0x0 ss:$0x1], $0xffff;
	_ =	sdelay $0x4  }
0x19: {  	v0 =	vmin.u32 v0, $0x80;
	_ =	sdelay $0x3  }
0x1a: {  	s17 =	simm.s32 $0x198;
	s18 =	simm.s32 $0xA8  }
0x1b: {  	[spmem:s8] =	stream.indirect_vreg.scatter.add.s32 [tilespmem:s17], [sflag:$0x1], $0x1, v0, vm0, $0x4038;
	[tilespmem:$0x208] =	vst v63  }
0x1c: {  	v0 =	vld.msk [tilespmem:s18+$0x0 ss:$0x1], $0xffff;
	_ =	sdelay $0x4  }
0x1d: {  	v0 =	vmin.u32 v0, $0x80;
	_ =	sdelay $0x3  }
0x1e: {  	s19 =	simm.s32 $0x1A8;
	s20 =	simm.s32 $0xB8  }
0x1f: {  	[spmem:s8] =	stream.indirect_vreg.scatter.add.s32 [tilespmem:s19], [sflag:$0x1], $0x1, v0, vm0, $0x4038;
	[tilespmem:$0x208] =	vst v63  }
0x20: {  	v0 =	vld.msk [tilespmem:s20+$0x0 ss:$0x1], $0xffff;
	_ =	sdelay $0x4  }
0x21: {  	v0 =	vmin.u32 v0, $0x80;
	_ =	sdelay $0x3  }
0x22: {  	s21 =	simm.s32 $0x1B8;
	s22 =	simm.s32 $0xC8  }
0x23: {  	[spmem:s8] =	stream.indirect_vreg.scatter.add.s32 [tilespmem:s21], [sflag:$0x1], $0x1, v0, vm0, $0x4038;
	[tilespmem:$0x208] =	vst v63  }
0x24: {  	v0 =	vld.msk [tilespmem:s22+$0x0 ss:$0x1], $0xffff;
	_ =	sdelay $0x4  }
0x25: {  	v0 =	vmin.u32 v0, $0x80;
	_ =	sdelay $0x3  }
0x26: {  	s23 =	simm.s32 $0x1C8;
	s24 =	simm.s32 $0xD8  }
0x27: {  	[spmem:s8] =	stream.indirect_vreg.scatter.add.s32 [tilespmem:s23], [sflag:$0x1], $0x1, v0, vm0, $0x4038;
	[tilespmem:$0x208] =	vst v63  }
0x28: {  	v0 =	vld.msk [tilespmem:s24+$0x0 ss:$0x1], $0xffff;
	_ =	sdelay $0x4  }
0x29: {  	v0 =	vmin.u32 v0, $0x80;
	_ =	sdelay $0x3  }
0x2a: {  	s25 =	simm.s32 $0x1D8;
	s26 =	simm.s32 $0xE8  }
0x2b: {  	[spmem:s8] =	stream.indirect_vreg.scatter.add.s32 [tilespmem:s25], [sflag:$0x1], $0x1, v0, vm0, $0x4038;
	[tilespmem:$0x208] =	vst v63  }
0x2c: {  	v0 =	vld.msk [tilespmem:s26+$0x0 ss:$0x1], $0xffff;
	_ =	sdelay $0x4  }
0x2d: {  	v0 =	vmin.u32 v0, $0x80;
	_ =	sdelay $0x3  }
0x2e: {  	s28 =	simm.s32 $0x1E8;
	s29 =	simm.s32 $0xF8  }
0x2f: {  	[spmem:s8] =	stream.indirect_vreg.scatter.add.s32 [tilespmem:s28], [sflag:$0x1], $0x1, v0, vm0, $0x4038;
	[tilespmem:$0x208] =	vst v63  }
0x30: {  	v0 =	vld.msk [tilespmem:s29+$0x0 ss:$0x1], $0xffff;
	_ =	sdelay $0x4  }
0x31: {  	v0 =	vmin.u32 v0, $0x80;
	_ =	sdelay $0x3  }
0x32: {  	s30 =	simm.s32 $0x1F8  }
0x33: {  	[spmem:s8] =	stream.indirect_vreg.scatter.add.s32 [tilespmem:s30], [sflag:$0x1], $0x1, v0, vm0, $0x4038;
	[tilespmem:$0x208] =	vst v63  }
0x34: {  	_ =	swait.ge [sflag:s13], $0x80  }
0x35: {  	[sflag:s13] =	ssyncset.done $0x0  }
0x36: {  	[sflag:s13] =	ssyncadd.s32 $0xFFFFFF80  }
0x37: {  	_ =	sfence.sel $0x180000  }
0x38: {  	[bflag:$0x0] =	sbarrier.arrive $0xFFFF  }
0x39: {  	[sflag:s7] =	ssyncpa.u1 $0x1  }
0x3a: {  	[sflag:s13] =	ssyncpa.u1 $0x1  }
0x3b: {  	_ =	sfence.stream.spmem  }
0x3c: {  	s31 =	simm.s32 $0x3D;
	[bflag:$0x0] =	sbarrier.arrive $0xFFFF  }
0x3d: {  	s3 =	simm.s32 @p0 $0x3D;
	[sflag:s31] =	ssyncpa.u1 $0x0  }
0x3e: {  	[sflag:s3] =	ssyncpa.u1 @p0 $0x1  }
0x3f: {  	[bflag:$0x0] =	sbarrier.arrive @p0 $0xFFFF  }
0x40: {  	_ =	strace @p0 $0x90000047  }
0x41: {  	s3 =	simm.s32 @!p0 $0x1C3D;
	[bflag:$0x2] =	sbarrier.arrive @p0 $0xFFFF  }
0x42: {  	[hbm:s1], [sflag:s3] =	dma.local @!p0 [spmem:s2], $0x10  }
0x43: {  	s1 =	simm.s32 @!p0 $0x3D  }
0x44: {  	_ =	swait.ge @!p0 [sflag:s1], $0x10  }
0x45: {  	[sflag:s1] =	ssyncset.done @!p0 $0x0  }
0x46: {  	[sflag:s1] =	ssyncadd.s32 @!p0 $0xFFFFFFF0  }
0x47: {  	[sflag:s1] =	ssyncpa.u1 @!p0 $0x1  }
0x48: {  	[bflag:$0x0] =	sbarrier.arrive @!p0 $0xFFFF  }
0x49: {  	_ =	strace @!p0 $0x90000047  }
0x4a: {  	s0 =	sadd.s32 @!p0 $0x100000, s0;
	[bflag:$0x2] =	sbarrier.arrive @!p0 $0xFFFF  }
0x4b: {  	[sflag:s0] =	ssyncadd.tile.s32 @!p0 $0x1;
	_ =	shalt  }
.Lfunc_end2:
_tile_overlayer_lowered:
.L_overlay_start_2:
0x4c: {  	(tag) =	ssettag $0x2  }
0x4d: {  	s0 =	rddreg [dreg:$0x0];
	s2 =	stileid.u32  }
0x4e: {  	s1 =	rddreg [dreg:$0x1];
	p0 =	sne.s32 s2, $0x0  }
0x4f: {  	s3 =	rddreg [dreg:$0x2];
	[bflag:$0x3] =	sbarrier.arrive $0xFFFF;
	s2 =	simm.s32 @!p0 $0x1C01  }
0x50: {  	[timem:s3], [sflag:s2] =	dma.local @!p0 [hbm:s0], s1  }
0x51: {  	s0 =	simm.s32 @!p0 $0x1  }
0x52: {  	_ =	swait.ge @!p0 [sflag:s0], s1  }
0x53: {  	s1 =	ssub.s32 @!p0 $0x0, s1;
	[sflag:s0] =	ssyncset.done @!p0 $0x0  }
0x54: {  	[sflag:s0] =	ssyncadd.s32 @!p0 s1  }
0x55: {  	[bflag:$0x3] =	sbarrier.arrive $0xFFFF  }
0x56: {  	_ =	shalt  }

</sc_bundles>
